<compile_context>
chip_gen: v7x
topology: tpu7x:2x2x1
jax: 0.10.2.dev20260603
libtpu: 0.0.44.dev20260713+nightly
codegen_flags: <defaults>
</compile_context>

<pallas_src>
import functools

import jax
import jax.numpy as jnp
from jax import lax
from jax.experimental import pallas as pl
from jax.experimental.pallas import tpu as pltpu
from jax.experimental.pallas import tpu_sc as plsc

K = 256
_NW = 32
_L = 16


def _sc_counts(labs_flat):
    n = labs_flat.shape[0]
    lpw = n // _NW

    mesh = plsc.VectorSubcoreMesh(core_axis_name="c", subcore_axis_name="s")

    @functools.partial(
        pl.kernel,
        out_type=jax.ShapeDtypeStruct((_NW, K), jnp.float32),
        mesh=mesh,
        scratch_types=[
            pltpu.VMEM((lpw,), jnp.int32),
            pltpu.VMEM((K,), jnp.float32),
        ],
        compiler_params=pltpu.CompilerParams(needs_layout_passes=False),
    )
    def counts_kernel(labs_hbm, out_hbm, lab_v, hist_v):
        wid = lax.axis_index("s") * 2 + lax.axis_index("c")
        pltpu.sync_copy(labs_hbm.at[pl.ds(wid * lpw, lpw)], lab_v)
        zeros = jnp.zeros((_L,), jnp.float32)
        for i in range(K // _L):
            hist_v[pl.ds(i * _L, _L)] = zeros
        ones = jnp.ones((_L,), jnp.float32)

        @plsc.parallel_loop(0, lpw // _L, 1, unroll=8)
        def _hist(g):
            idx = lab_v[pl.ds(g * _L, _L)]
            plsc.addupdate_scatter(hist_v, [idx], ones)

        pltpu.sync_copy(hist_v, out_hbm.at[wid])

    return counts_kernel(labs_flat)


def _pool_body(nj, x_ref, lab_ref, cp_ref, out_ref):
    j = pl.program_id(1)

    labs = lab_ref[0]
    kiota = lax.broadcasted_iota(jnp.int32, (K, labs.shape[-1]), 0)
    onehot = (labs == kiota).astype(jnp.bfloat16)
    xb = x_ref[0].astype(jnp.bfloat16)

    psum = lax.dot_general(
        onehot, xb, (((1,), (1,)), ((), ())),
        preferred_element_type=jnp.float32)

    @pl.when(j == 0)
    def _init():
        out_ref[0] = psum

    @pl.when(j > 0)
    def _acc():
        out_ref[0] += psum

    @pl.when(j == nj - 1)
    def _finish():
        ones_col = jnp.ones((cp_ref.shape[1], 1), jnp.float32)
        counts = lax.dot_general(
            cp_ref[0], ones_col, (((0,), (0,)), ((), ())),
            preferred_element_type=jnp.float32)
        out_ref[0] = out_ref[0] / jnp.maximum(counts, 1.0)


def kernel(x, label_maps):
    B, C, H, W = x.shape
    HW = H * W
    chunk = 12544 if HW % 12544 == 0 else HW
    nj = HW // chunk
    wpi = _NW // B

    x3 = x.reshape(B, C, HW)
    labs = label_maps.reshape(B * nj, 1, chunk)

    partials = _sc_counts(label_maps.reshape(-1))
    cp = partials.reshape(B, wpi, K)

    out = pl.pallas_call(
        functools.partial(_pool_body, nj),
        grid=(B, nj),
        in_specs=[
            pl.BlockSpec((1, C, chunk), lambda b, j: (b, 0, j)),
            pl.BlockSpec((1, 1, chunk), lambda b, j: (b * nj + j, 0, 0)),
            pl.BlockSpec((1, wpi, K), lambda b, j: (b, 0, 0)),
        ],
        out_specs=pl.BlockSpec((1, K, C), lambda b, j: (b, 0, 0)),
        out_shape=jax.ShapeDtypeStruct((B, K, C), jnp.float32),
        compiler_params=pltpu.CompilerParams(
            dimension_semantics=("parallel", "arbitrary")),
    )(x3, labs, cp)
    return out

# --- scband reference (transcript-rebuilt; emitter-appended) ---
"""Pipeline reference for scband-superpixel-pooling-6880537608986 (READ-ONLY COPY).

The authoritative reference and input builder live on the scoring server;
editing this copy changes nothing except your own understanding.
"""

import jax, jax.numpy as jnp
import numpy as np

NUM_LABELS = 256

def setup_inputs(seed: int = 0) -> dict:
    key = jax.random.key(seed)
    k1, k2 = jax.random.split(key)
    x = jax.random.normal(k1, (4, 192, 224, 224), dtype=jnp.float32)
    label_maps = jax.random.randint(k2, (4, 1, 224, 224), 0, NUM_LABELS, dtype=jnp.int32)
    return {"x": x, "label_maps": label_maps}

def reference(x, label_maps):
    # SuperpixelPooling with use_max=False: for each image, mean-pool channel
    # vectors over pixels sharing each superpixel label. With 256 labels and
    # 224*224 pixels every label is present w.p. ~1, so unique(labels) == 0..K-1
    # and the per-image stacked output is the segment-mean ordered by label id.
    B, C, H, W = x.shape
    K = NUM_LABELS
    outs = []
    for i in range(B):
        labels = label_maps[i, 0].reshape(-1)                 # [H*W]
        feats = x[i].reshape(C, H * W).T                      # [H*W, C]
        sums = jax.ops.segment_sum(feats, labels, num_segments=K)          # [K, C]
        counts = jax.ops.segment_sum(jnp.ones((H * W,), dtype=x.dtype), labels, num_segments=K)  # [K]
        means = sums / jnp.maximum(counts, 1.0)[:, None]      # [K, C]
        outs.append(means)
    return jnp.stack(outs)                                    # [B, K, C]

if __name__ == "__main__":
    import jax
    _d = setup_inputs()
    print(jax.jit(kernel)(*tuple(_d.values())))

</pallas_src>

<mosaic_0001>
#map = affine_map<(d0, d1) -> (0)>
#map1 = affine_map<(d0, d1) -> (0, 0)>
module attributes {stable_mosaic.version = 14 : i64} {
  func.func @counts_kernel(%arg0: i32, %arg1: i32, %arg2: memref<200704xi32, #tpu.memory_space<hbm>>, %arg3: memref<32x256xf32, #tpu.memory_space<hbm>>, %arg4: memref<6272xi32, #tpu.memory_space<vmem>>, %arg5: memref<256xf32, #tpu.memory_space<vmem>>) attributes {dimension_semantics = [#tpu.dimension_semantics<core_parallel>, #tpu.dimension_semantics<subcore_parallel>], iteration_bounds = array<i64: 2, 16>, scalar_prefetch = 0 : i64, scratch_operands = 2 : i64, tpu.core_type = #tpu.core_type<sc_vector_subcore>, window_params = [{transform_indices = #map}, {transform_indices = #map1}]} {
    %mul3A = arith.constant 2 : i32
    %mul3A_0 = arith.muli %arg1, %mul3A : i32
    %add3A = arith.addi %mul3A_0, %arg0 : i32
    %mul3A_1 = arith.constant 6272 : i32
    %mul3A_2 = arith.muli %add3A, %mul3A_1 : i32
    "tpu.region"() ({
      %run_scoped3A = tpu.sem_alloc : memref<!tpu.dma_semaphore, #tpu.memory_space<semaphore_mem>>
      %dma_start3A = tpu.memref_slice %arg2[%mul3A_2] : memref<200704xi32, #tpu.memory_space<hbm>> -> memref<6272xi32, #tpu.memory_space<hbm>>
      %dma_start3A_39 = tpu.memref_slice %arg2[%mul3A_2] : memref<200704xi32, #tpu.memory_space<hbm>> -> memref<6272xi32, #tpu.memory_space<hbm>>
      tpu.enqueue_dma source(%dma_start3A_39 : memref<6272xi32, #tpu.memory_space<hbm>>) target(%arg4 : memref<6272xi32, #tpu.memory_space<vmem>>) target_semaphore(%run_scoped3A : memref<!tpu.dma_semaphore, #tpu.memory_space<semaphore_mem>>)
      %dma_wait3A = tpu.memref_slice %arg2[%mul3A_2] : memref<200704xi32, #tpu.memory_space<hbm>> -> memref<6272xi32, #tpu.memory_space<hbm>>
      %dma_wait3A_40 = tpu.memref_slice %arg2[%mul3A_2] : memref<200704xi32, #tpu.memory_space<hbm>> -> memref<6272xi32, #tpu.memory_space<hbm>>
      tpu.wait_dma2 semaphore(%run_scoped3A : memref<!tpu.dma_semaphore, #tpu.memory_space<semaphore_mem>>) src(%dma_wait3A_40 : memref<6272xi32, #tpu.memory_space<hbm>>) dst(%arg4 : memref<6272xi32, #tpu.memory_space<vmem>>)
      tpu.yield
    }) : () -> ()
    %broadcast_in_dim3A = arith.constant 0.000000e+00 : f32
    %broadcast_in_dim3A_3 = vector.broadcast %broadcast_in_dim3A : f32 to vector<16xf32>
    %swap3A = arith.constant 0 : index
    %swap3A_4 = tpu.vector_load %arg5[%swap3A] {strides = array<i32>} : memref<256xf32, #tpu.memory_space<vmem>>, vector<16xf32>,
    tpu.vector_store %arg5[%swap3A], %broadcast_in_dim3A_3 {strides = array<i32>} : memref<256xf32, #tpu.memory_space<vmem>>, vector<16xf32>,
    %swap3A_5 = arith.constant 16 : index
    %swap3A_6 = tpu.vector_load %arg5[%swap3A_5] {strides = array<i32>} : memref<256xf32, #tpu.memory_space<vmem>>, vector<16xf32>,
    tpu.vector_store %arg5[%swap3A_5], %broadcast_in_dim3A_3 {strides = array<i32>} : memref<256xf32, #tpu.memory_space<vmem>>, vector<16xf32>,
    %swap3A_7 = arith.constant 32 : index
    %swap3A_8 = tpu.vector_load %arg5[%swap3A_7] {strides = array<i32>} : memref<256xf32, #tpu.memory_space<vmem>>, vector<16xf32>,
    tpu.vector_store %arg5[%swap3A_7], %broadcast_in_dim3A_3 {strides = array<i32>} : memref<256xf32, #tpu.memory_space<vmem>>, vector<16xf32>,
    %swap3A_9 = arith.constant 48 : index
    %swap3A_10 = tpu.vector_load %arg5[%swap3A_9] {strides = array<i32>} : memref<256xf32, #tpu.memory_space<vmem>>, vector<16xf32>,
    tpu.vector_store %arg5[%swap3A_9], %broadcast_in_dim3A_3 {strides = array<i32>} : memref<256xf32, #tpu.memory_space<vmem>>, vector<16xf32>,
    %swap3A_11 = arith.constant 64 : index
    %swap3A_12 = tpu.vector_load %arg5[%swap3A_11] {strides = array<i32>} : memref<256xf32, #tpu.memory_space<vmem>>, vector<16xf32>,
    tpu.vector_store %arg5[%swap3A_11], %broadcast_in_dim3A_3 {strides = array<i32>} : memref<256xf32, #tpu.memory_space<vmem>>, vector<16xf32>,
    %swap3A_13 = arith.constant 80 : index
    %swap3A_14 = tpu.vector_load %arg5[%swap3A_13] {strides = array<i32>} : memref<256xf32, #tpu.memory_space<vmem>>, vector<16xf32>,
    tpu.vector_store %arg5[%swap3A_13], %broadcast_in_dim3A_3 {strides = array<i32>} : memref<256xf32, #tpu.memory_space<vmem>>, vector<16xf32>,
    %swap3A_15 = arith.constant 96 : index
    %swap3A_16 = tpu.vector_load %arg5[%swap3A_15] {strides = array<i32>} : memref<256xf32, #tpu.memory_space<vmem>>, vector<16xf32>,
    tpu.vector_store %arg5[%swap3A_15], %broadcast_in_dim3A_3 {strides = array<i32>} : memref<256xf32, #tpu.memory_space<vmem>>, vector<16xf32>,
    %swap3A_17 = arith.constant 112 : index
    %swap3A_18 = tpu.vector_load %arg5[%swap3A_17] {strides = array<i32>} : memref<256xf32, #tpu.memory_space<vmem>>, vector<16xf32>,
    tpu.vector_store %arg5[%swap3A_17], %broadcast_in_dim3A_3 {strides = array<i32>} : memref<256xf32, #tpu.memory_space<vmem>>, vector<16xf32>,
    %swap3A_19 = arith.constant 128 : index
    %swap3A_20 = tpu.vector_load %arg5[%swap3A_19] {strides = array<i32>} : memref<256xf32, #tpu.memory_space<vmem>>, vector<16xf32>,
    tpu.vector_store %arg5[%swap3A_19], %broadcast_in_dim3A_3 {strides = array<i32>} : memref<256xf32, #tpu.memory_space<vmem>>, vector<16xf32>,
    %swap3A_21 = arith.constant 144 : index
    %swap3A_22 = tpu.vector_load %arg5[%swap3A_21] {strides = array<i32>} : memref<256xf32, #tpu.memory_space<vmem>>, vector<16xf32>,
    tpu.vector_store %arg5[%swap3A_21], %broadcast_in_dim3A_3 {strides = array<i32>} : memref<256xf32, #tpu.memory_space<vmem>>, vector<16xf32>,
    %swap3A_23 = arith.constant 160 : index
    %swap3A_24 = tpu.vector_load %arg5[%swap3A_23] {strides = array<i32>} : memref<256xf32, #tpu.memory_space<vmem>>, vector<16xf32>,
    tpu.vector_store %arg5[%swap3A_23], %broadcast_in_dim3A_3 {strides = array<i32>} : memref<256xf32, #tpu.memory_space<vmem>>, vector<16xf32>,
    %swap3A_25 = arith.constant 176 : index
    %swap3A_26 = tpu.vector_load %arg5[%swap3A_25] {strides = array<i32>} : memref<256xf32, #tpu.memory_space<vmem>>, vector<16xf32>,
    tpu.vector_store %arg5[%swap3A_25], %broadcast_in_dim3A_3 {strides = array<i32>} : memref<256xf32, #tpu.memory_space<vmem>>, vector<16xf32>,
    %swap3A_27 = arith.constant 192 : index
    %swap3A_28 = tpu.vector_load %arg5[%swap3A_27] {strides = array<i32>} : memref<256xf32, #tpu.memory_space<vmem>>, vector<16xf32>,
    tpu.vector_store %arg5[%swap3A_27], %broadcast_in_dim3A_3 {strides = array<i32>} : memref<256xf32, #tpu.memory_space<vmem>>, vector<16xf32>,
    %swap3A_29 = arith.constant 208 : index
    %swap3A_30 = tpu.vector_load %arg5[%swap3A_29] {strides = array<i32>} : memref<256xf32, #tpu.memory_space<vmem>>, vector<16xf32>,
    tpu.vector_store %arg5[%swap3A_29], %broadcast_in_dim3A_3 {strides = array<i32>} : memref<256xf32, #tpu.memory_space<vmem>>, vector<16xf32>,
    %swap3A_31 = arith.constant 224 : index
    %swap3A_32 = tpu.vector_load %arg5[%swap3A_31] {strides = array<i32>} : memref<256xf32, #tpu.memory_space<vmem>>, vector<16xf32>,
    tpu.vector_store %arg5[%swap3A_31], %broadcast_in_dim3A_3 {strides = array<i32>} : memref<256xf32, #tpu.memory_space<vmem>>, vector<16xf32>,
    %swap3A_33 = arith.constant 240 : index
    %swap3A_34 = tpu.vector_load %arg5[%swap3A_33] {strides = array<i32>} : memref<256xf32, #tpu.memory_space<vmem>>, vector<16xf32>,
    tpu.vector_store %arg5[%swap3A_33], %broadcast_in_dim3A_3 {strides = array<i32>} : memref<256xf32, #tpu.memory_space<vmem>>, vector<16xf32>,
    %broadcast_in_dim3A_35 = arith.constant 1.000000e+00 : f32
    %broadcast_in_dim3A_36 = vector.broadcast %broadcast_in_dim3A_35 : f32 to vector<16xf32>
    %parallel_loop3A = arith.constant 0 : i32
    %parallel_loop3A_37 = arith.constant 392 : i32
    %parallel_loop3A_38 = arith.constant 1 : i32
    scf.for %parallel_loop3A_39 = %parallel_loop3A to %parallel_loop3A_37 step %parallel_loop3A_38  : i32 {
      %parallel_loop3A_40 = arith.constant 16 : i32
      %parallel_loop3A_41 = arith.muli %parallel_loop3A_39, %parallel_loop3A_40 : i32
      %parallel_loop3A_42 = arith.index_cast %parallel_loop3A_41 : i32 to index
      %parallel_loop3A_43 = tpu.vector_load %arg4[%parallel_loop3A_42] {strides = array<i32>} : memref<6272xi32, #tpu.memory_space<vmem>>, vector<16xi32>,
      tpu.vector_store_idx %arg5[%parallel_loop3A_43], %broadcast_in_dim3A_36 {add = true} : memref<256xf32, #tpu.memory_space<vmem>>[vector<16xi32>], vector<16xf32>,
    } {sc.loop_unroll_factor = 8 : i64, sc.parallel_access}
    "tpu.region"() ({
      %run_scoped3A = tpu.sem_alloc : memref<!tpu.dma_semaphore, #tpu.memory_space<semaphore_mem>>
      %dma_start3A = arith.constant 0 : i32
      %dma_start3A_39 = tpu.memref_slice %arg3[%add3A, %dma_start3A] : memref<32x256xf32, #tpu.memory_space<hbm>> -> memref<1x256xf32, #tpu.memory_space<hbm>>
      %dma_start3A_40 = tpu.memref_squeeze %dma_start3A_39 : memref<1x256xf32, #tpu.memory_space<hbm>> -> memref<256xf32, #tpu.memory_space<hbm>>
      %dma_start3A_41 = arith.constant 0 : i32
      %dma_start3A_42 = tpu.memref_slice %arg3[%add3A, %dma_start3A_41] : memref<32x256xf32, #tpu.memory_space<hbm>> -> memref<1x256xf32, #tpu.memory_space<hbm>>
      %dma_start3A_43 = tpu.memref_squeeze %dma_start3A_42 : memref<1x256xf32, #tpu.memory_space<hbm>> -> memref<256xf32, #tpu.memory_space<hbm>>
      tpu.enqueue_dma source(%arg5 : memref<256xf32, #tpu.memory_space<vmem>>) target(%dma_start3A_43 : memref<256xf32, #tpu.memory_space<hbm>>) target_semaphore(%run_scoped3A : memref<!tpu.dma_semaphore, #tpu.memory_space<semaphore_mem>>)
      %dma_wait3A = arith.constant 0 : i32
      %dma_wait3A_44 = tpu.memref_slice %arg3[%add3A, %dma_wait3A] : memref<32x256xf32, #tpu.memory_space<hbm>> -> memref<1x256xf32, #tpu.memory_space<hbm>>
      %dma_wait3A_45 = tpu.memref_squeeze %dma_wait3A_44 : memref<1x256xf32, #tpu.memory_space<hbm>> -> memref<256xf32, #tpu.memory_space<hbm>>
      %dma_wait3A_46 = arith.constant 0 : i32
      %dma_wait3A_47 = tpu.memref_slice %arg3[%add3A, %dma_wait3A_46] : memref<32x256xf32, #tpu.memory_space<hbm>> -> memref<1x256xf32, #tpu.memory_space<hbm>>
      %dma_wait3A_48 = tpu.memref_squeeze %dma_wait3A_47 : memref<1x256xf32, #tpu.memory_space<hbm>> -> memref<256xf32, #tpu.memory_space<hbm>>
      tpu.wait_dma2 semaphore(%run_scoped3A : memref<!tpu.dma_semaphore, #tpu.memory_space<semaphore_mem>>) src(%arg5 : memref<256xf32, #tpu.memory_space<vmem>>) dst(%dma_wait3A_48 : memref<256xf32, #tpu.memory_space<hbm>>)
      tpu.yield
    }) : () -> ()
    return
  }
}

module attributes {stable_mosaic.version = 14 : i64} {
  func.func @_pool_body(%arg0: i32, %arg1: i32, %arg2: memref<1x192x12544xf32, #tpu.memory_space<vmem>>, %arg3: memref<1x1x12544xi32, #tpu.memory_space<vmem>>, %arg4: memref<1x8x256xf32, #tpu.memory_space<vmem>>, %arg5: memref<1x256x192xf32, #tpu.memory_space<vmem>>) attributes {dimension_semantics = [#tpu.dimension_semantics<parallel>, #tpu.dimension_semantics<arbitrary>], iteration_bounds = array<i64: 4, 4>, scalar_prefetch = 0 : i64, scratch_operands = 0 : i64, tpu.core_type = #tpu.core_type<tc>, window_params = [{transform_indices = @transform_0, window_bounds = array<i64: 1, 192, 12544>}, {transform_indices = @transform_1, window_bounds = array<i64: 1, 1, 12544>}, {transform_indices = @transform_2, window_bounds = array<i64: 1, 8, 256>}, {transform_indices = @transform_3, window_bounds = array<i64: 1, 256, 192>}]} {
    %get3A = arith.constant 0 : index
    %get3A_0 = arith.constant 0 : index
    %get3A_1 = arith.constant 0 : index
    %get3A_2 = vector.load %arg3[%get3A, %get3A_0, %get3A_1] : memref<1x1x12544xi32, #tpu.memory_space<vmem>>, vector<1x1x12544xi32>
    %get3A_3 = vector.shape_cast %get3A_2 : vector<1x1x12544xi32> to vector<1x12544xi32>
    %iota3A = tpu.iota {dimensions = array<i32: 0>} : vector<256x12544xi32>
    %eq3A = vector.broadcast %get3A_3 : vector<1x12544xi32> to vector<256x12544xi32>
    %eq3A_4 = arith.cmpi eq, %eq3A, %iota3A : vector<256x12544xi32>
    %convert_element_type3A = arith.extui %eq3A_4 : vector<256x12544xi1> to vector<256x12544xi32>
    %convert_element_type3A_5 = arith.sitofp %convert_element_type3A : vector<256x12544xi32> to vector<256x12544xf32>
    %convert_element_type3A_6 = arith.truncf %convert_element_type3A_5 : vector<256x12544xf32> to vector<256x12544xbf16>
    %get3A_7 = arith.constant 0 : index
    %get3A_8 = arith.constant 0 : index
    %get3A_9 = arith.constant 0 : index
    %get3A_10 = vector.load %arg2[%get3A_7, %get3A_8, %get3A_9] : memref<1x192x12544xf32, #tpu.memory_space<vmem>>, vector<1x192x12544xf32>
    %get3A_11 = vector.shape_cast %get3A_10 : vector<1x192x12544xf32> to vector<192x12544xf32>
    %convert_element_type3A_12 = arith.truncf %get3A_11 : vector<192x12544xf32> to vector<192x12544xbf16>
    %dot_general3A = arith.constant dense<0.000000e+00> : vector<256x192xf32>
    %dot_general3A_13 = tpu.matmul %convert_element_type3A_6, %convert_element_type3A_12, %dot_general3A {dimension_numbers = #tpu.dot_dimension_numbers<[1], [1], [0], [0], [0, 0, 1, 0], [], []>, transpose_lhs_hint = false} : vector<256x12544xbf16>, vector<192x12544xbf16>, vector<256x192xf32> -> vector<256x192xf32>
    %eq3A_14 = arith.constant 0 : i32
    %eq3A_15 = arith.cmpi eq, %arg1, %eq3A_14 : i32
    %convert_element_type3A_16 = arith.extui %eq3A_15 : i1 to i32
    %cond3A = arith.constant 0 : i32
    %cond3A_17 = arith.cmpi ne, %convert_element_type3A_16, %cond3A : i32
    scf.if %cond3A_17 {
      %swap3A = arith.constant 0 : index
      %swap3A_27 = arith.constant 0 : index
      %swap3A_28 = arith.constant 0 : index
      %swap3A_29 = vector.load %arg5[%swap3A, %swap3A_27, %swap3A_28] : memref<1x256x192xf32, #tpu.memory_space<vmem>>, vector<1x256x192xf32>
      %swap3A_30 = vector.shape_cast %swap3A_29 : vector<1x256x192xf32> to vector<256x192xf32>
      %swap3A_31 = vector.shape_cast %dot_general3A_13 : vector<256x192xf32> to vector<1x256x192xf32>
      tpu.vector_store %arg5[%swap3A, %swap3A_27, %swap3A_28], %swap3A_31 {strides = array<i32>} : memref<1x256x192xf32, #tpu.memory_space<vmem>>, vector<1x256x192xf32>,
    } else {
    }
    %gt3A = arith.constant 0 : i32
    %gt3A_18 = arith.cmpi sgt, %arg1, %gt3A : i32
    %convert_element_type3A_19 = arith.extui %gt3A_18 : i1 to i32
    %cond3A_20 = arith.constant 0 : i32
    %cond3A_21 = arith.cmpi ne, %convert_element_type3A_19, %cond3A_20 : i32
    scf.if %cond3A_21 {
      %get3A_27 = arith.constant 0 : index
      %get3A_28 = arith.constant 0 : index
      %get3A_29 = arith.constant 0 : index
      %get3A_30 = vector.load %arg5[%get3A_27, %get3A_28, %get3A_29] : memref<1x256x192xf32, #tpu.memory_space<vmem>>, vector<1x256x192xf32>
      %get3A_31 = vector.shape_cast %get3A_30 : vector<1x256x192xf32> to vector<256x192xf32>
      %add3A = arith.addf %get3A_31, %dot_general3A_13 : vector<256x192xf32>
      %swap3A = arith.constant 0 : index
      %swap3A_32 = arith.constant 0 : index
      %swap3A_33 = arith.constant 0 : index
      %swap3A_34 = vector.load %arg5[%swap3A, %swap3A_32, %swap3A_33] : memref<1x256x192xf32, #tpu.memory_space<vmem>>, vector<1x256x192xf32>
      %swap3A_35 = vector.shape_cast %swap3A_34 : vector<1x256x192xf32> to vector<256x192xf32>
      %swap3A_36 = vector.shape_cast %add3A : vector<256x192xf32> to vector<1x256x192xf32>
      tpu.vector_store %arg5[%swap3A, %swap3A_32, %swap3A_33], %swap3A_36 {strides = array<i32>} : memref<1x256x192xf32, #tpu.memory_space<vmem>>, vector<1x256x192xf32>,
    } else {
    }
    %eq3A_22 = arith.constant 3 : i32
    %eq3A_23 = arith.cmpi eq, %arg1, %eq3A_22 : i32
    %convert_element_type3A_24 = arith.extui %eq3A_23 : i1 to i32
    %cond3A_25 = arith.constant 0 : i32
    %cond3A_26 = arith.cmpi ne, %convert_element_type3A_24, %cond3A_25 : i32
    scf.if %cond3A_26 {
      %broadcast_in_dim3A = arith.constant 1.000000e+00 : f32
      %broadcast_in_dim3A_27 = vector.broadcast %broadcast_in_dim3A : f32 to vector<8x1xf32>
      %get3A_28 = arith.constant 0 : index
      %get3A_29 = arith.constant 0 : index
      %get3A_30 = arith.constant 0 : index
      %get3A_31 = vector.load %arg4[%get3A_28, %get3A_29, %get3A_30] : memref<1x8x256xf32, #tpu.memory_space<vmem>>, vector<1x8x256xf32>
      %get3A_32 = vector.shape_cast %get3A_31 : vector<1x8x256xf32> to vector<8x256xf32>
      %dot_general3A_33 = arith.constant dense<0.000000e+00> : vector<256x1xf32>
      %dot_general3A_34 = tpu.matmul %get3A_32, %broadcast_in_dim3A_27, %dot_general3A_33 {dimension_numbers = #tpu.dot_dimension_numbers<[0], [0], [1], [1], [0, 1, 1, 1], [], []>, transpose_lhs_hint = false} : vector<8x256xf32>, vector<8x1xf32>, vector<256x1xf32> -> vector<256x1xf32>
      %get3A_35 = arith.constant 0 : index
      %get3A_36 = arith.constant 0 : index
      %get3A_37 = arith.constant 0 : index
      %get3A_38 = vector.load %arg5[%get3A_35, %get3A_36, %get3A_37] : memref<1x256x192xf32, #tpu.memory_space<vmem>>, vector<1x256x192xf32>
      %get3A_39 = vector.shape_cast %get3A_38 : vector<1x256x192xf32> to vector<256x192xf32>
      %max3A = arith.constant 1.000000e+00 : f32
      %max3A_40 = vector.broadcast %max3A : f32 to vector<256x1xf32>
      %max3A_41 = arith.maximumf %dot_general3A_34, %max3A_40 : vector<256x1xf32>
      %div3A = vector.broadcast %max3A_41 : vector<256x1xf32> to vector<256x192xf32>
      %div3A_42 = arith.divf %get3A_39, %div3A : vector<256x192xf32>
      %swap3A = arith.constant 0 : index
      %swap3A_43 = arith.constant 0 : index
      %swap3A_44 = arith.constant 0 : index
      %swap3A_45 = vector.load %arg5[%swap3A, %swap3A_43, %swap3A_44] : memref<1x256x192xf32, #tpu.memory_space<vmem>>, vector<1x256x192xf32>
      %swap3A_46 = vector.shape_cast %swap3A_45 : vector<1x256x192xf32> to vector<256x192xf32>
      %swap3A_47 = vector.shape_cast %div3A_42 : vector<256x192xf32> to vector<1x256x192xf32>
      tpu.vector_store %arg5[%swap3A, %swap3A_43, %swap3A_44], %swap3A_47 {strides = array<i32>} : memref<1x256x192xf32, #tpu.memory_space<vmem>>, vector<1x256x192xf32>,
    } else {
    }
    return
  }
  func.func @transform_0(%arg0: i32, %arg1: i32) -> (i32, i32, i32) {
    %c0_i32 = arith.constant 0 : i32
    %c0_i32_0 = arith.constant 0 : i32
    return %arg0, %c0_i32, %arg1 : i32, i32, i32
  }
  func.func @transform_1(%arg0: i32, %arg1: i32) -> (i32, i32, i32) {
    %mul3A = arith.constant 4 : i32
    %mul3A_0 = arith.muli %arg0, %mul3A : i32
    %add3A = arith.addi %mul3A_0, %arg1 : i32
    %c0_i32 = arith.constant 0 : i32
    %c0_i32_1 = arith.constant 0 : i32
    %c0_i32_2 = arith.constant 0 : i32
    return %add3A, %c0_i32, %c0_i32_1 : i32, i32, i32
  }
  func.func @transform_2(%arg0: i32, %arg1: i32) -> (i32, i32, i32) {
    %c0_i32 = arith.constant 0 : i32
    %c0_i32_0 = arith.constant 0 : i32
    %c0_i32_1 = arith.constant 0 : i32
    return %arg0, %c0_i32, %c0_i32_0 : i32, i32, i32
  }
  func.func @transform_3(%arg0: i32, %arg1: i32) -> (i32, i32, i32) {
    %c0_i32 = arith.constant 0 : i32
    %c0_i32_0 = arith.constant 0 : i32
    %c0_i32_1 = arith.constant 0 : i32
    return %arg0, %c0_i32, %c0_i32_0 : i32, i32, i32
  }
}

</mosaic_0001>

<sc_bundles>
// kernel: kernel.4.cloned.1.call-start
scs
__scs_entry_jumppad:
0x0: {  	(pc) =	sbr.rel $0x88, $3  }
0x1: {  	(tag) =	ssettag $0x0;
	lr =	simm.s32 $0x1  }
0x2: {  	[smem:$0x3F9F] =	sst lr;
	_ =	strace $0xD0000000  }
0x3: {  	_ = 	snop  }
0x4: {  	_ = 	snop  }
0x5: {  	_ = 	snop  }
0x6: {  	_ = 	snop  }
0x7: {  	_ = 	snop  }
__scs_overlays_trampoline_lowered:
0x8: {  	[smem:$0x3FAE] =	sst s0  }
0x9: {  	[smem:$0x3FAF] =	sst s1  }
0xa: {  	[smem:$0x3FB0] =	sst s2  }
0xb: {  	[smem:$0x3FB1] =	sst s3  }
0xc: {  	[smem:$0x3FB2] =	sst s4  }
0xd: {  	[smem:$0x3FB3] =	sst s5  }
0xe: {  	[smem:$0x3FB4] =	sst s6  }
0xf: {  	[smem:$0x3FB5] =	sst s7  }
0x10: {  	[smem:$0x3FB6] =	sst s8  }
0x11: {  	[smem:$0x3FB7] =	sst s9;
	s0 =	simm.s32 @!p0 $0x0  }
0x12: {  	s1 =	sld [smem:$0x3F9D];
	s0 =	simm.s32 @p0 $0x1  }
0x13: {  	[smem:$0x3FB8] =	sst s0;
	s0 =	simm.s32 @!p1 $0x0  }
0x14: {  	s2 =	sld [smem:$0x3F9C];
	s0 =	simm.s32 @p1 $0x1  }
0x15: {  	[smem:$0x3FB9] =	sst s0;
	s0 =	simm.s32 @!p2 $0x0  }
0x16: {  	s3 =	sld [smem:$0x3FDB];
	s0 =	simm.s32 @p2 $0x1  }
0x17: {  	s4 =	simm.s32 $0x1BF5;
	[smem:$0x3FBB] =	sst s0  }
0x18: {  	s0 =	sld [smem:$0x3F9E];
	_ =	swait.ge [sflag:s4], $0x0  }
0x19: {  	s7 =	sld [smem:$0x3F9F]  }
0x1a: {  	s8 =	sadd.s32 $0xFFFFE003, lr  }
0x1b: {  	s9 =	sadd.s32 $0xFFFFFEF7, lr;
	s5 =	simm.s32 $0xFFFFFFFF;
	p2 =	slt.u32 s8, $0xFFFFF086  }
0x1c: {  	p1 =	slt.u32 s9, $0xF7A;
	s5 =	simm.s32 @!p2 $0x0  }
0x1d: {  	s5 =	simm.s32 @p1 $0x1;
	p0 =	seq.s32 s7, s2  }
0x1e: {  	s7 =	smul.u32 @!p0 $0xF7A, s2;
	p2 =	seq.s32 @!p0 s5, $0x0  }
0x1f: {  	s9 =	smul.u32 $0xF7A, s1;
	s8 =	simm.s32 @!p0 $0x1BF5;
	p2 =	por !p2, p0  }
0x20: {  	[sflag:s8] =	ssyncset.s32 @!p0 $0xFFFFF086;
	s6 =	sadd.s32 @!p0 s3, s7;
	s7 =	simm.s32 @!p0 $0x108  }
0x21: {  	s3 =	sadd.s32 s3, s9;
	s6 =	sadd.s32 @!p0 $0x88, s6;
	s7 =	simm.s32 @p2 $0x1082  }
0x22: {  	[simem:s7], [sflag:s8] =	dma.local @!p0 [hbm:s6], $0xF7A  }
0x23: {  	s9 =	sor.u32 $0xD0000000, s2;
	s6 =	simm.s32 $0x108;
	_ =	swait.ge @!p0 [sflag:s8], $0x0  }
0x24: {  	s3 =	sadd.s32 $0x88, s3;
	s6 =	simm.s32 @!p1 $0x1082;
	[sflag:s4] =	ssyncset.s32 $0xFFFFF086  }
0x25: {  	[simem:s6], [sflag:s4] =	dma.local [hbm:s3], $0xF7A  }
0x26: {  	[smem:$0x3F9F] =	sst s1;
	(tag) =	ssettag s2;
	_ =	strace s9  }
0x27: {  	s1 =	sld [smem:$0x3FAF]  }
0x28: {  	s2 =	sld [smem:$0x3FB0]  }
0x29: {  	s4 =	sld [smem:$0x3FB2]  }
0x2a: {  	p0 =	seq.s32 s5, $0x0;
	s5 =	sld [smem:$0x3FB3]  }
0x2b: {  	s6 =	sld [smem:$0x3FB4]  }
0x2c: {  	s7 =	sld [smem:$0x3FB5]  }
0x2d: {  	s3 =	simm.s32 $0x108;
	s8 =	sld [smem:$0x3FB6]  }
0x2e: {  	s3 =	simm.s32 @!p0 $0x1082;
	s9 =	sld [smem:$0x3FB7]  }
0x2f: {  	lr =	sadd.s32 s0, s3;
	s0 =	sld [smem:$0x3FAE]  }
0x30: {  	s3 =	sld [smem:$0x3FB1]  }
0x31: {  	[smem:$0x3FBA] =	sst s10  }
0x32: {  	s10 =	sld [smem:$0x3FB8];
	_ =	sdelay $0x3  }
0x33: {  	p0 =	seq.s32 s10, $0x1;
	s10 =	sld [smem:$0x3FBA];
	_ =	sdelay $0x3  }
0x34: {  	[smem:$0x3FBA] =	sst s10  }
0x35: {  	s10 =	sld [smem:$0x3FB9];
	_ =	sdelay $0x3  }
0x36: {  	p1 =	seq.s32 s10, $0x1;
	s10 =	sld [smem:$0x3FBA];
	_ =	sdelay $0x3  }
0x37: {  	[smem:$0x3FBA] =	sst s10  }
0x38: {  	s10 =	sld [smem:$0x3FBB]  }
0x39: {  	_ = 	snop;
	(pc) =	sbr.ind lr, $3  }
0x3a: {  	_ = 	snop  }
0x3b: {  	_ = 	snop  }
0x3c: {  	p2 =	seq.s32 s10, $0x1;
	s10 =	sld [smem:$0x3FBA]  }
0x3d: {  	_ =	shalt  }
0x3e: {  	_ =	shalt  }
0x3f: {  	_ =	shalt  }
0x40: {  	_ =	shalt  }
0x41: {  	_ =	shalt  }
0x42: {  	_ =	shalt  }
0x43: {  	_ =	shalt  }
0x44: {  	_ =	shalt  }
0x45: {  	_ =	shalt  }
0x46: {  	_ =	shalt  }
0x47: {  	_ =	shalt  }
0x48: {  	_ =	shalt  }
0x49: {  	_ =	shalt  }
0x4a: {  	_ =	shalt  }
0x4b: {  	_ =	shalt  }
0x4c: {  	_ =	shalt  }
0x4d: {  	_ =	shalt  }
0x4e: {  	_ =	shalt  }
0x4f: {  	_ =	shalt  }
0x50: {  	_ =	shalt  }
0x51: {  	_ =	shalt  }
0x52: {  	_ =	shalt  }
0x53: {  	_ =	shalt  }
0x54: {  	_ =	shalt  }
0x55: {  	_ =	shalt  }
0x56: {  	_ =	shalt  }
0x57: {  	_ =	shalt  }
0x58: {  	_ =	shalt  }
0x59: {  	_ =	shalt  }
0x5a: {  	_ =	shalt  }
0x5b: {  	_ =	shalt  }
0x5c: {  	_ =	shalt  }
0x5d: {  	_ =	shalt  }
0x5e: {  	_ =	shalt  }
0x5f: {  	_ =	shalt  }
0x60: {  	_ =	shalt  }
0x61: {  	_ =	shalt  }
0x62: {  	_ =	shalt  }
0x63: {  	_ =	shalt  }
0x64: {  	_ =	shalt  }
0x65: {  	_ =	shalt  }
0x66: {  	_ =	shalt  }
0x67: {  	_ =	shalt  }
0x68: {  	_ =	shalt  }
0x69: {  	_ =	shalt  }
0x6a: {  	_ =	shalt  }
0x6b: {  	_ =	shalt  }
0x6c: {  	_ =	shalt  }
0x6d: {  	_ =	shalt  }
0x6e: {  	_ =	shalt  }
0x6f: {  	_ =	shalt  }
0x70: {  	_ =	shalt  }
0x71: {  	_ =	shalt  }
0x72: {  	_ =	shalt  }
0x73: {  	_ =	shalt  }
0x74: {  	_ =	shalt  }
0x75: {  	_ =	shalt  }
0x76: {  	_ =	shalt  }
0x77: {  	_ =	shalt  }
0x78: {  	_ =	shalt  }
0x79: {  	_ =	shalt  }
0x7a: {  	_ =	shalt  }
0x7b: {  	_ =	shalt  }
0x7c: {  	_ =	shalt  }
0x7d: {  	_ =	shalt  }
0x7e: {  	_ =	shalt  }
0x7f: {  	_ =	shalt  }
0x80: {  	_ =	shalt  }
0x81: {  	_ =	shalt  }
0x82: {  	_ =	shalt  }
0x83: {  	_ =	shalt  }
0x84: {  	_ =	shalt  }
0x85: {  	_ =	shalt  }
0x86: {  	_ =	shalt  }
0x87: {  	_ =	shalt  }
.Lfunc_end0:
.L_simem_size_0:
called_computation_lowered:
.L_overlay_start_0:
0x88: {  	s2 =	sld [smem:$0x3FD9]  }
0x89: {  	s3 =	sld [smem:$0x3FFE];
	_ =	sdelay $0x1  }
0x8a: {  	s1 =	srdreg.scid  }
0x8b: {  	s0 =	sand.u32 $0x1, s1  }
0x8c: {  	s17 =	sshll.u32 s0, $0xA;
	s2 =	sadd.s32 s3, s2  }
0x8d: {  	s2 =	sadd.s32 s2, s17  }
0x8e: {  	[smem:$0x3FC6] =	sst s2  }
0x8f: {  	_ = 	snop  }
0x90: {  	s2 =	sld [smem:$0x3FD0];
	(tm) =	ssettm $0x1  }
0x91: {  	s18 =	sld [smem:$0x3FFB];
	_ =	sdelay $0x3  }
0x92: {  	_ =	strace s18  }
0x93: {  	s3 =	sld [smem:$0x3FFC];
	_ =	sdelay $0x3  }
0x94: {  	_ =	strace s3  }
0x95: {  	s3 =	sld [smem:$0x3FFD];
	_ =	sdelay $0x3  }
0x96: {  	_ =	strace s3  }
0x97: {  	_ =	strace $0x8FFFFFFF  }
0x98: {  	s19 =	sld [smem:$0x3FDB];
	_ =	sdelay $0x1  }
0x99: {  	s4 =	simm.s32 $_scs_section_size  }
0x9a: {  	s5 =	simm.s32 $_size__tile_overlayer_lowered;
	s6 =	simm.s32 $_tile_overlayer_lowered  }
0x9b: {  	s22 =	simm.s32 $0x1BFF;
	s21 =	sshll.u32 s6, $0x1;
	s3 =	sadd.s32 s4, s19  }
0x9c: {  	s7 =	simm.s32 $0x0;
	s20 =	sshll.u32 s5, $0x1;
	s5 =	sadd.s32 s21, s3  }
0x9d: {  	[timem:s7], [sflag:s22] =	dma.local [hbm:s5], s20  }
0x9e: {  	_ =	swait.ge [sflag:s22], s20  }
0x9f: {  	s4 =	ssub.s32 $0x0, s20;
	[sflag:s22] =	ssyncset.done $0x0  }
0xa0: {  	[sflag:s22] =	ssyncadd.s32 s4;
	_ =	sdelay $0x1  }
0xa1: {  	s23 =	simm.s32 $0x1B8B  }
0xa2: {  	_ =	swait.ge [sflag:s23], $0x1  }
0xa3: {  	[sflag:s23] =	ssyncset.done $0x0  }
0xa4: {  	s25 =	simm.s32 $0x1B8E;
	s24 =	sld [smem:$0x3FFE];
	[sflag:s23] =	ssyncadd.s32 $0xFFFFFFFF  }
0xa5: {  	s26 =	simm.s32 $execute0_lowered;
	[smem:$0x3FD2] =	sst s25  }
0xa6: {  	s5 =	sshll.u32 s26, $0x1;
	_ =	strace $0x80000046;
	[dreg:$0x1] =	wrdreg $0xFFFFFFFF  }
0xa7: {  	s28 =	simm.s32 $_size_execute0_lowered;
	s3 =	sadd.s32 s3, s5;
	[dreg:$0x0] =	wrdreg $0x0  }
0xa8: {  	s5 =	sshll.u32 s28, $0x1;
	[dreg:$0x2] =	wrdreg s3  }
0xa9: {  	[dreg:$0x3] =	wrdreg s5  }
0xaa: {  	[dreg:$0x4] =	wrdreg $0xC0  }
0xab: {  	_ =	task [dreg:s7], $0x5FFFF  }
0xac: {  	[dreg:$0x1] =	wrdreg $0xFFFFFFFF  }
0xad: {  	[dreg:$0x0] =	wrdreg $0x60  }
0xae: {  	[dreg:$0x2] =	wrdreg s24  }
0xaf: {  	[dreg:$0x3] =	wrdreg s2  }
0xb0: {  	[dreg:$0x4] =	wrdreg $0x9  }
0xb1: {  	_ =	task.clear_ibuf [dreg:s7], $0x5FFFF;
	_ =	strace $0x90000046  }
0xb2: {  	s29 =	simm.s32 $0x9;
	_ =	strace $0x80000048  }
0xb3: {  	_ =	swait.ge [sflag:s29], $0x1  }
0xb4: {  	[sflag:s29] =	ssyncadd.s32 $0xFFFFFFFF  }
0xb5: {  	_ =	strace $0x90000048  }
0xb6: {  	_ =	sfence  }
0xb7: {  	s30 =	sld [smem:$0x0];
	_ =	sdelay $0x2  }
0xb8: {  	s31 =	sshll.u32 s1, $0xD;
	s1 =	sshrl.u32 s1, $0x2  }
0xb9: {  	s3 =	sand.u32 $0x4000, s31;
	s1 =	sadd.s32 s1, s30  }
0xba: {  	s0 =	sor.u32 s3, s0;
	s1 =	sshll.u32 s1, $0x11  }
0xbb: {  	s0 =	sor.u32 s1, s0  }
0xbc: {  	s0 =	sadd.s32 $0x8F2B, s0  }
0xbd: {  	[sflag:s0] =	ssyncadd.remote.s32 $0x1  }
0xbe: {  	_ =	sfence.sel $0xFFFF  }
0xbf: {  	[dreg:$0x0] =	wrdreg $0xFFFFFFFF;
	(pc) =	sbr.abs _section_cstart, $3  }
0xc0: {  	[dreg:$0x1] =	wrdreg $0xFFFFFFFF  }
0xc1: {  	_ =	task.clear_ibuf [dreg:s7], $0x2FFFF;
	_ =	strace $0x9FFFFFFF  }
0xc2: {  	(tm) =	ssettm $0x7FFFFFFF  }
0xc3: {  	_ =	shalt  }
tec
execute0_lowered:
.L_overlay_start_1:
0x0: {  	(tag) =	ssettag $0x1  }
0x1: {  	s1 =	srdreg.scid;
	s3 =	rddreg [dreg:$0x0]  }
0x2: {  	s0 =	stileid.u32;
	s5 =	rddreg [dreg:$0x1];
	s2 =	simm.s32 $0x0  }
0x3: {  	s9 =	simm.s32 $0x400;
	s4 =	sand.u32 $0x1, s1;
	s1 =	rddreg [dreg:$0x2]  }
0x4: {  	s10 =	simm.s32 $0x0;
	s29 =	sshll.u32 s0, $0x1;
	[smem:$0x7FF] =	sst s2  }
0x5: {  	s30 =	sshll.u32 s0, $0x6;
	s6 =	sor.u32 s4, s29;
	s4 =	ssub.s32 $0x2, s4  }
0x6: {  	s7 =	smul.u32 $0x310, s6;
	s6 =	sshll.u32 s6, $0x4;
	s8 =	sshrl.u32 s4, $0x1  }
0x7: {  	_ =	strace $0x80000047;
	s6 =	sand.u32 $0x70, s6;
	s31 =	ssub.s32 s4, s8  }
0x8: {  	s8 =	simm.s32 $0x80;
	s3 =	sadd.s32 s7, s3;
	s7 =	sand.u32 $0x300, s30  }
0x9: {  	s5 =	sadd.s32 s5, s7;
	s3 =	sadd.s32 $0x600, s3;
	s7 =	simm.s32 $0x1880  }
0xa: {  	v0 =	vimm.f32 $0.0e+00;
	v1 =	vimm.f32 $1.000000000e+00;
	s4 =	sadd.s32 s6, s5;
	s5 =	smax.u32 s31, $0x1;
	s6 =	simm.s32 $0x1  }
.LBB2_1:
0xb: {  	[tilespmem:s2], [sflag:$0x1] =	stream.linear.gather [hbm4b:s3+s2], $0x1880, $0x38;
	[tilespmem:$0x1980] =	vst v63  }
0xc: {  	_ =	swait.ge [sflag:s6], $0x1880  }
0xd: {  	[sflag:s6] =	ssyncset.done $0x0  }
0xe: {  	[sflag:s6] =	ssyncadd.s32 $0xFFFFE780  }
0xf: {  	[tilespmem:$0x1880] =	vst v0  }
0x10: {  	[tilespmem:$0x1890] =	vst v0  }
0x11: {  	[tilespmem:$0x18A0] =	vst v0  }
0x12: {  	[tilespmem:$0x18B0] =	vst v0  }
0x13: {  	[tilespmem:$0x18C0] =	vst v0  }
0x14: {  	[tilespmem:$0x18D0] =	vst v0  }
0x15: {  	[tilespmem:$0x18E0] =	vst v0  }
0x16: {  	[tilespmem:$0x18F0] =	vst v0  }
0x17: {  	[tilespmem:$0x1900] =	vst v0  }
0x18: {  	[tilespmem:$0x1910] =	vst v0  }
0x19: {  	[tilespmem:$0x1920] =	vst v0  }
0x1a: {  	[tilespmem:$0x1930] =	vst v0  }
0x1b: {  	[tilespmem:$0x1940] =	vst v0  }
0x1c: {  	[tilespmem:$0x1950] =	vst v0  }
0x1d: {  	[tilespmem:$0x1960] =	vst v0  }
0x1e: {  	s11 =	simm.s32 $0x40;
	[tilespmem:$0x1970] =	vst v0  }
0x1f: {  	v3 =	vld [tilespmem:s11+$0xFFFFFFC0]  }
0x20: {  	v4 =	vld [tilespmem:s11+$0x30]  }
0x21: {  	v5 =	vld [tilespmem:s11+$0x20]  }
0x22: {  	v6 =	vld [tilespmem:s11+$0x10]  }
0x23: {  	v7 =	vld [tilespmem:s11+$0x0]  }
0x24: {  	v8 =	vld [tilespmem:s11+$0xFFFFFFF0]  }
0x25: {  	v9 =	vld [tilespmem:s11+$0xFFFFFFE0]  }
0x26: {  	v2 =	vld [tilespmem:s11+$0xFFFFFFD0]  }
0x27: {  	[tilespmem:v3+s7+$0x0] =	vst.idx.add.f32.msk $0xffff, v1  }
0x28: {  	[tilespmem:v4+s7+$0x0] =	vst.idx.add.f32.msk $0xffff, v1  }
0x29: {  	[tilespmem:v5+s7+$0x0] =	vst.idx.add.f32.msk $0xffff, v1  }
0x2a: {  	[tilespmem:v6+s7+$0x0] =	vst.idx.add.f32.msk $0xffff, v1  }
0x2b: {  	[tilespmem:v7+s7+$0x0] =	vst.idx.add.f32.msk $0xffff, v1  }
0x2c: {  	[tilespmem:v8+s7+$0x0] =	vst.idx.add.f32.msk $0xffff, v1  }
0x2d: {  	s12 =	simm.s32 $0x0;
	[tilespmem:v9+s7+$0x0] =	vst.idx.add.f32.msk $0xffff, v1  }
.LBB2_2:
0x2e: {  	s12 =	sadd.s32 $0x8, s12;
	[tilespmem:v2+s7+$0x0] =	vst.idx.add.f32.msk $0xffff, v1;
	s11 =	sadd.s32 $0x80, s11  }
0x2f: {  	v3 =	vld [tilespmem:s11+$0xFFFFFFC0];
	p0 =	slt.u32 s12, $0x180  }
0x30: {  	v4 =	vld [tilespmem:s11+$0x30]  }
0x31: {  	v5 =	vld [tilespmem:s11+$0x20]  }
0x32: {  	v6 =	vld [tilespmem:s11+$0x10]  }
0x33: {  	v7 =	vld [tilespmem:s11+$0x0]  }
0x34: {  	v8 =	vld [tilespmem:s11+$0xFFFFFFF0]  }
0x35: {  	v9 =	vld [tilespmem:s11+$0xFFFFFFE0]  }
0x36: {  	v2 =	vld [tilespmem:s11+$0xFFFFFFD0]  }
0x37: {  	[tilespmem:v3+s7+$0x0] =	vst.idx.add.f32.msk $0xffff, v1  }
0x38: {  	[tilespmem:v4+s7+$0x0] =	vst.idx.add.f32.msk $0xffff, v1  }
.Ltmp0:
0x39: {  	[tilespmem:v5+s7+$0x0] =	vst.idx.add.f32.msk $0xffff, v1;
	(pc) =	sbr.rel @p0 .LBB2_2-.Ltmp0, $4  }
0x3a: {  	[tilespmem:v6+s7+$0x0] =	vst.idx.add.f32.msk $0xffff, v1  }
0x3b: {  	[tilespmem:v7+s7+$0x0] =	vst.idx.add.f32.msk $0xffff, v1  }
0x3c: {  	[tilespmem:v8+s7+$0x0] =	vst.idx.add.f32.msk $0xffff, v1  }
0x3d: {  	[tilespmem:v9+s7+$0x0] =	vst.idx.add.f32.msk $0xffff, v1  }
0x3e: {  	_ =	sdelay $0x1  }
0x3f: {  	s10 =	sadd.s32 $0x1, s10  }
0x40: {  	p0 =	sne.s32 s10, s5  }
.Ltmp1:
0x41: {  	[tilespmem:v2+s7+$0x0] =	vst.idx.add.f32.msk $0xffff, v1;
	(pc) =	sbr.rel @p0 .LBB2_1-.Ltmp1, $4  }
0x42: {  	[hbm4b:s4+s8] =	stream.strided.scatter [tilespmem:s7], [sflag:$0x1], $0x100, s9, s8, $0x38;
	[tilespmem:$0x1980] =	vst v63  }
0x43: {  	_ =	swait.ge [sflag:s6], $0x100  }
0x44: {  	[sflag:s6] =	ssyncset.done $0x0  }
0x45: {  	[sflag:s6] =	ssyncadd.s32 $0xFFFFFF00  }
0x46: {  	_ =	sfence.sel $0x180000  }
0x47: {  	[bflag:$0x0] =	sbarrier.arrive $0xFFFF  }
0x48: {  	p0 =	sne.s32 s0, $0x0;
	_ =	strace $0x90000047  }
0x49: {  	s0 =	sadd.s32 @!p0 $0x100000, s1;
	[bflag:$0x2] =	sbarrier.arrive $0xFFFF  }
0x4a: {  	[sflag:s0] =	ssyncadd.tile.s32 @!p0 $0x1;
	_ =	shalt  }
.Lfunc_end2:
_tile_overlayer_lowered:
.L_overlay_start_2:
0x4b: {  	(tag) =	ssettag $0x2  }
0x4c: {  	s0 =	rddreg [dreg:$0x0];
	s2 =	stileid.u32  }
0x4d: {  	s1 =	rddreg [dreg:$0x1];
	p0 =	sne.s32 s2, $0x0  }
0x4e: {  	s3 =	rddreg [dreg:$0x2];
	[bflag:$0x3] =	sbarrier.arrive $0xFFFF;
	s2 =	simm.s32 @!p0 $0x1C01  }
0x4f: {  	[timem:s3], [sflag:s2] =	dma.local @!p0 [hbm:s0], s1  }
0x50: {  	s0 =	simm.s32 @!p0 $0x1  }
0x51: {  	_ =	swait.ge @!p0 [sflag:s0], s1  }
0x52: {  	s1 =	ssub.s32 @!p0 $0x0, s1;
	[sflag:s0] =	ssyncset.done @!p0 $0x0  }
0x53: {  	[sflag:s0] =	ssyncadd.s32 @!p0 s1  }
0x54: {  	[bflag:$0x3] =	sbarrier.arrive $0xFFFF  }
0x55: {  	_ =	shalt  }

</sc_bundles>
